<compile_context>
chip_gen: v7x
topology: tpu7x:2x2x1
jax: 0.10.2.dev20260603
libtpu: 0.0.44.dev20260713+nightly
codegen_flags: <defaults>
</compile_context>

<pallas_src>
import functools

import jax
import jax.numpy as jnp
from jax import lax
from jax.experimental import pallas as pl
from jax.experimental.pallas import tpu as pltpu
from jax.experimental.pallas import tpu_sc as plsc

_N_FIELDS = 26
_VOCAB = 64
_BATCH = 16384
_LANES = 16
_NC = 1
_NS = 16
_NW = _NC * _NS
_BPW = _BATCH // _NW
_GROUPS = _BPW // _LANES


def _body(x_hbm, tab_hbm, out_hbm, x_v, tab_v, out_v, sem):
    wid = lax.axis_index("s") * _NC + lax.axis_index("c")
    base = wid * _BPW

    cp = pltpu.async_copy(
        x_hbm.at[pl.ds(base * _N_FIELDS, _BPW * _N_FIELDS)], x_v, sem)
    pltpu.sync_copy(tab_hbm, tab_v)
    cp.wait()

    row_off = lax.iota(jnp.int32, _LANES) * _N_FIELDS

    def group(g, carry):
        x_base = row_off + g * (_LANES * _N_FIELDS)
        xi = plsc.load_gather(x_v, [x_base])
        acc = plsc.load_gather(tab_v, [xi])
        for i in range(1, _N_FIELDS):
            xi = plsc.load_gather(x_v, [x_base + i])
            acc = acc + plsc.load_gather(tab_v, [xi + i * _VOCAB])
        out_v[pl.ds(g * _LANES, _LANES)] = acc
        return carry

    lax.fori_loop(0, _GROUPS, group, 0)
    pltpu.sync_copy(out_v, out_hbm.at[pl.ds(base, _BPW)])


@jax.jit
def kernel(X, tables, free_term):
    mesh = plsc.VectorSubcoreMesh(core_axis_name="c", subcore_axis_name="s", num_cores=1)
    run = functools.partial(
        pl.kernel,
        out_type=jax.ShapeDtypeStruct((_BATCH,), jnp.float32),
        mesh=mesh,
        scratch_types=[
            pltpu.VMEM((_BPW * _N_FIELDS,), jnp.int32),
            pltpu.VMEM((_N_FIELDS * _VOCAB,), jnp.float32),
            pltpu.VMEM((_BPW,), jnp.float32),
            pltpu.SemaphoreType.DMA,
        ],
        compiler_params=pltpu.CompilerParams(needs_layout_passes=False),
    )(_body)
    tab = tables.astype(jnp.float32).at[0].add(free_term.astype(jnp.float32))
    return run(X.reshape(-1), tab.reshape(-1))

# --- scband reference (transcript-rebuilt; emitter-appended) ---
"""Pipeline reference for scband-embedding-sum-module-24644522344623 (READ-ONLY COPY).

The authoritative reference and input builder live on the scoring server;
editing this copy changes nothing except your own understanding.
"""

import jax, jax.numpy as jnp
import numpy as np

N_FIELDS = 26
VOCAB = 64
BATCH = 16384

def setup_inputs(seed: int = 0) -> dict:
    key = jax.random.key(seed)
    k1, k2, k3 = jax.random.split(key, 3)
    X = jax.random.randint(k1, (BATCH, N_FIELDS), 0, VOCAB, dtype=jnp.int32)
    # learned parameters: 26 embedding tables of shape [64, 1], stacked as [26, 64]
    tables = jax.random.normal(k2, (N_FIELDS, VOCAB), dtype=jnp.float32) * 0.1
    free_term = jax.random.normal(k3, (), dtype=jnp.float32)
    return {"X": X, "tables": tables, "free_term": free_term}

def reference(X, tables, free_term):
    # result = free_term.expand(B); for i: result += emb_i(X[:, i]).flatten()
    # vectorized: gather tables[i, X[b, i]] -> [B, N_FIELDS], sum over fields
    field_idx = jnp.arange(tables.shape[0])[None, :]
    gathered = tables[field_idx, X]
    return free_term + jnp.sum(gathered, axis=1)

if __name__ == "__main__":
    import jax
    _d = setup_inputs()
    print(jax.jit(kernel)(*tuple(_d.values())))

</pallas_src>

<mosaic_0001>
#map = affine_map<(d0, d1) -> (0)>
module attributes {stable_mosaic.version = 14 : i64} {
  func.func @_body(%arg0: i32, %arg1: i32, %arg2: memref<425984xi32, #tpu.memory_space<hbm>>, %arg3: memref<1664xf32, #tpu.memory_space<hbm>>, %arg4: memref<16384xf32, #tpu.memory_space<hbm>>, %arg5: memref<26624xi32, #tpu.memory_space<vmem>>, %arg6: memref<1664xf32, #tpu.memory_space<vmem>>, %arg7: memref<1024xf32, #tpu.memory_space<vmem>>, %arg8: memref<!tpu.dma_semaphore, #tpu.memory_space<semaphore_mem>>) attributes {dimension_semantics = [#tpu.dimension_semantics<core_parallel>, #tpu.dimension_semantics<subcore_parallel>], iteration_bounds = array<i64: 1, 16>, scalar_prefetch = 0 : i64, scratch_operands = 4 : i64, tpu.core_type = #tpu.core_type<sc_vector_subcore>, window_params = [{transform_indices = #map}, {transform_indices = #map}, {transform_indices = #map}]} {
    %mul3A = arith.constant 1 : i32
    %mul3A_0 = arith.muli %arg1, %mul3A : i32
    %add3A = arith.addi %mul3A_0, %arg0 : i32
    %mul3A_1 = arith.constant 1024 : i32
    %mul3A_2 = arith.muli %add3A, %mul3A_1 : i32
    %mul3A_3 = arith.constant 26 : i32
    %mul3A_4 = arith.muli %mul3A_2, %mul3A_3 : i32
    %dma_start3A = tpu.memref_slice %arg2[%mul3A_4] : memref<425984xi32, #tpu.memory_space<hbm>> -> memref<26624xi32, #tpu.memory_space<hbm>>
    %dma_start3A_5 = tpu.memref_slice %arg2[%mul3A_4] : memref<425984xi32, #tpu.memory_space<hbm>> -> memref<26624xi32, #tpu.memory_space<hbm>>
    tpu.enqueue_dma source(%dma_start3A_5 : memref<26624xi32, #tpu.memory_space<hbm>>) target(%arg5 : memref<26624xi32, #tpu.memory_space<vmem>>) target_semaphore(%arg8 : memref<!tpu.dma_semaphore, #tpu.memory_space<semaphore_mem>>)
    "tpu.region"() ({
      %run_scoped3A = tpu.sem_alloc : memref<!tpu.dma_semaphore, #tpu.memory_space<semaphore_mem>>
      tpu.enqueue_dma source(%arg3 : memref<1664xf32, #tpu.memory_space<hbm>>) target(%arg6 : memref<1664xf32, #tpu.memory_space<vmem>>) target_semaphore(%run_scoped3A : memref<!tpu.dma_semaphore, #tpu.memory_space<semaphore_mem>>)
      tpu.wait_dma2 semaphore(%run_scoped3A : memref<!tpu.dma_semaphore, #tpu.memory_space<semaphore_mem>>) src(%arg3 : memref<1664xf32, #tpu.memory_space<hbm>>) dst(%arg6 : memref<1664xf32, #tpu.memory_space<vmem>>)
      tpu.yield
    }) : () -> ()
    %dma_wait3A = tpu.memref_slice %arg2[%mul3A_4] : memref<425984xi32, #tpu.memory_space<hbm>> -> memref<26624xi32, #tpu.memory_space<hbm>>
    %dma_wait3A_6 = tpu.memref_slice %arg2[%mul3A_4] : memref<425984xi32, #tpu.memory_space<hbm>> -> memref<26624xi32, #tpu.memory_space<hbm>>
    tpu.wait_dma2 semaphore(%arg8 : memref<!tpu.dma_semaphore, #tpu.memory_space<semaphore_mem>>) src(%dma_wait3A_6 : memref<26624xi32, #tpu.memory_space<hbm>>) dst(%arg5 : memref<26624xi32, #tpu.memory_space<vmem>>)
    %iota3A = tpu.iota {dimensions = array<i32: 0>} : vector<16xi32>
    %mul3A_7 = arith.constant 26 : i32
    %mul3A_8 = vector.broadcast %mul3A_7 : i32 to vector<16xi32>
    %mul3A_9 = arith.muli %iota3A, %mul3A_8 : vector<16xi32>
    %scan3A = arith.constant 0 : i32
    %scan3A_10 = arith.constant 0 : i32
    %scan3A_11 = arith.constant 64 : i32
    %scan3A_12 = arith.addi %scan3A_10, %scan3A_11 : i32
    %scan3A_13 = arith.constant 1 : i32
    scf.for %scan3A_15 = %scan3A_10 to %scan3A_12 step %scan3A_13  : i32 {
      %mul3A_16 = arith.constant 416 : i32
      %mul3A_17 = arith.muli %scan3A_15, %mul3A_16 : i32
      %add3A_18 = vector.broadcast %mul3A_17 : i32 to vector<16xi32>
      %add3A_19 = arith.addi %mul3A_9, %add3A_18 : vector<16xi32>
      %gather3A = tpu.vector_load_idx %arg5[%add3A_19] : memref<26624xi32, #tpu.memory_space<vmem>>[vector<16xi32>], vector<16xi32>,
      %gather3A_20 = tpu.vector_load_idx %arg6[%gather3A] : memref<1664xf32, #tpu.memory_space<vmem>>[vector<16xi32>], vector<16xf32>,
      %add3A_21 = arith.constant 1 : i32
      %add3A_22 = vector.broadcast %add3A_21 : i32 to vector<16xi32>
      %add3A_23 = arith.addi %add3A_19, %add3A_22 : vector<16xi32>
      %gather3A_24 = tpu.vector_load_idx %arg5[%add3A_23] : memref<26624xi32, #tpu.memory_space<vmem>>[vector<16xi32>], vector<16xi32>,
      %add3A_25 = arith.constant 64 : i32
      %add3A_26 = vector.broadcast %add3A_25 : i32 to vector<16xi32>
      %add3A_27 = arith.addi %gather3A_24, %add3A_26 : vector<16xi32>
      %gather3A_28 = tpu.vector_load_idx %arg6[%add3A_27] : memref<1664xf32, #tpu.memory_space<vmem>>[vector<16xi32>], vector<16xf32>,
      %add3A_29 = arith.addf %gather3A_20, %gather3A_28 : vector<16xf32>
      %add3A_30 = arith.constant 2 : i32
      %add3A_31 = vector.broadcast %add3A_30 : i32 to vector<16xi32>
      %add3A_32 = arith.addi %add3A_19, %add3A_31 : vector<16xi32>
      %gather3A_33 = tpu.vector_load_idx %arg5[%add3A_32] : memref<26624xi32, #tpu.memory_space<vmem>>[vector<16xi32>], vector<16xi32>,
      %add3A_34 = arith.constant 128 : i32
      %add3A_35 = vector.broadcast %add3A_34 : i32 to vector<16xi32>
      %add3A_36 = arith.addi %gather3A_33, %add3A_35 : vector<16xi32>
      %gather3A_37 = tpu.vector_load_idx %arg6[%add3A_36] : memref<1664xf32, #tpu.memory_space<vmem>>[vector<16xi32>], vector<16xf32>,
      %add3A_38 = arith.addf %add3A_29, %gather3A_37 : vector<16xf32>
      %add3A_39 = arith.constant 3 : i32
      %add3A_40 = vector.broadcast %add3A_39 : i32 to vector<16xi32>
      %add3A_41 = arith.addi %add3A_19, %add3A_40 : vector<16xi32>
      %gather3A_42 = tpu.vector_load_idx %arg5[%add3A_41] : memref<26624xi32, #tpu.memory_space<vmem>>[vector<16xi32>], vector<16xi32>,
      %add3A_43 = arith.constant 192 : i32
      %add3A_44 = vector.broadcast %add3A_43 : i32 to vector<16xi32>
      %add3A_45 = arith.addi %gather3A_42, %add3A_44 : vector<16xi32>
      %gather3A_46 = tpu.vector_load_idx %arg6[%add3A_45] : memref<1664xf32, #tpu.memory_space<vmem>>[vector<16xi32>], vector<16xf32>,
      %add3A_47 = arith.addf %add3A_38, %gather3A_46 : vector<16xf32>
      %add3A_48 = arith.constant 4 : i32
      %add3A_49 = vector.broadcast %add3A_48 : i32 to vector<16xi32>
      %add3A_50 = arith.addi %add3A_19, %add3A_49 : vector<16xi32>
      %gather3A_51 = tpu.vector_load_idx %arg5[%add3A_50] : memref<26624xi32, #tpu.memory_space<vmem>>[vector<16xi32>], vector<16xi32>,
      %add3A_52 = arith.constant 256 : i32
      %add3A_53 = vector.broadcast %add3A_52 : i32 to vector<16xi32>
      %add3A_54 = arith.addi %gather3A_51, %add3A_53 : vector<16xi32>
      %gather3A_55 = tpu.vector_load_idx %arg6[%add3A_54] : memref<1664xf32, #tpu.memory_space<vmem>>[vector<16xi32>], vector<16xf32>,
      %add3A_56 = arith.addf %add3A_47, %gather3A_55 : vector<16xf32>
      %add3A_57 = arith.constant 5 : i32
      %add3A_58 = vector.broadcast %add3A_57 : i32 to vector<16xi32>
      %add3A_59 = arith.addi %add3A_19, %add3A_58 : vector<16xi32>
      %gather3A_60 = tpu.vector_load_idx %arg5[%add3A_59] : memref<26624xi32, #tpu.memory_space<vmem>>[vector<16xi32>], vector<16xi32>,
      %add3A_61 = arith.constant 320 : i32
      %add3A_62 = vector.broadcast %add3A_61 : i32 to vector<16xi32>
      %add3A_63 = arith.addi %gather3A_60, %add3A_62 : vector<16xi32>
      %gather3A_64 = tpu.vector_load_idx %arg6[%add3A_63] : memref<1664xf32, #tpu.memory_space<vmem>>[vector<16xi32>], vector<16xf32>,
      %add3A_65 = arith.addf %add3A_56, %gather3A_64 : vector<16xf32>
      %add3A_66 = arith.constant 6 : i32
      %add3A_67 = vector.broadcast %add3A_66 : i32 to vector<16xi32>
      %add3A_68 = arith.addi %add3A_19, %add3A_67 : vector<16xi32>
      %gather3A_69 = tpu.vector_load_idx %arg5[%add3A_68] : memref<26624xi32, #tpu.memory_space<vmem>>[vector<16xi32>], vector<16xi32>,
      %add3A_70 = arith.constant 384 : i32
      %add3A_71 = vector.broadcast %add3A_70 : i32 to vector<16xi32>
      %add3A_72 = arith.addi %gather3A_69, %add3A_71 : vector<16xi32>
      %gather3A_73 = tpu.vector_load_idx %arg6[%add3A_72] : memref<1664xf32, #tpu.memory_space<vmem>>[vector<16xi32>], vector<16xf32>,
      %add3A_74 = arith.addf %add3A_65, %gather3A_73 : vector<16xf32>
      %add3A_75 = arith.constant 7 : i32
      %add3A_76 = vector.broadcast %add3A_75 : i32 to vector<16xi32>
      %add3A_77 = arith.addi %add3A_19, %add3A_76 : vector<16xi32>
      %gather3A_78 = tpu.vector_load_idx %arg5[%add3A_77] : memref<26624xi32, #tpu.memory_space<vmem>>[vector<16xi32>], vector<16xi32>,
      %add3A_79 = arith.constant 448 : i32
      %add3A_80 = vector.broadcast %add3A_79 : i32 to vector<16xi32>
      %add3A_81 = arith.addi %gather3A_78, %add3A_80 : vector<16xi32>
      %gather3A_82 = tpu.vector_load_idx %arg6[%add3A_81] : memref<1664xf32, #tpu.memory_space<vmem>>[vector<16xi32>], vector<16xf32>,
      %add3A_83 = arith.addf %add3A_74, %gather3A_82 : vector<16xf32>
      %add3A_84 = arith.constant 8 : i32
      %add3A_85 = vector.broadcast %add3A_84 : i32 to vector<16xi32>
      %add3A_86 = arith.addi %add3A_19, %add3A_85 : vector<16xi32>
      %gather3A_87 = tpu.vector_load_idx %arg5[%add3A_86] : memref<26624xi32, #tpu.memory_space<vmem>>[vector<16xi32>], vector<16xi32>,
      %add3A_88 = arith.constant 512 : i32
      %add3A_89 = vector.broadcast %add3A_88 : i32 to vector<16xi32>
      %add3A_90 = arith.addi %gather3A_87, %add3A_89 : vector<16xi32>
      %gather3A_91 = tpu.vector_load_idx %arg6[%add3A_90] : memref<1664xf32, #tpu.memory_space<vmem>>[vector<16xi32>], vector<16xf32>,
      %add3A_92 = arith.addf %add3A_83, %gather3A_91 : vector<16xf32>
      %add3A_93 = arith.constant 9 : i32
      %add3A_94 = vector.broadcast %add3A_93 : i32 to vector<16xi32>
      %add3A_95 = arith.addi %add3A_19, %add3A_94 : vector<16xi32>
      %gather3A_96 = tpu.vector_load_idx %arg5[%add3A_95] : memref<26624xi32, #tpu.memory_space<vmem>>[vector<16xi32>], vector<16xi32>,
      %add3A_97 = arith.constant 576 : i32
      %add3A_98 = vector.broadcast %add3A_97 : i32 to vector<16xi32>
      %add3A_99 = arith.addi %gather3A_96, %add3A_98 : vector<16xi32>
      %gather3A_100 = tpu.vector_load_idx %arg6[%add3A_99] : memref<1664xf32, #tpu.memory_space<vmem>>[vector<16xi32>], vector<16xf32>,
      %add3A_101 = arith.addf %add3A_92, %gather3A_100 : vector<16xf32>
      %add3A_102 = arith.constant 10 : i32
      %add3A_103 = vector.broadcast %add3A_102 : i32 to vector<16xi32>
      %add3A_104 = arith.addi %add3A_19, %add3A_103 : vector<16xi32>
      %gather3A_105 = tpu.vector_load_idx %arg5[%add3A_104] : memref<26624xi32, #tpu.memory_space<vmem>>[vector<16xi32>], vector<16xi32>,
      %add3A_106 = arith.constant 640 : i32
      %add3A_107 = vector.broadcast %add3A_106 : i32 to vector<16xi32>
      %add3A_108 = arith.addi %gather3A_105, %add3A_107 : vector<16xi32>
      %gather3A_109 = tpu.vector_load_idx %arg6[%add3A_108] : memref<1664xf32, #tpu.memory_space<vmem>>[vector<16xi32>], vector<16xf32>,
      %add3A_110 = arith.addf %add3A_101, %gather3A_109 : vector<16xf32>
      %add3A_111 = arith.constant 11 : i32
      %add3A_112 = vector.broadcast %add3A_111 : i32 to vector<16xi32>
      %add3A_113 = arith.addi %add3A_19, %add3A_112 : vector<16xi32>
      %gather3A_114 = tpu.vector_load_idx %arg5[%add3A_113] : memref<26624xi32, #tpu.memory_space<vmem>>[vector<16xi32>], vector<16xi32>,
      %add3A_115 = arith.constant 704 : i32
      %add3A_116 = vector.broadcast %add3A_115 : i32 to vector<16xi32>
      %add3A_117 = arith.addi %gather3A_114, %add3A_116 : vector<16xi32>
      %gather3A_118 = tpu.vector_load_idx %arg6[%add3A_117] : memref<1664xf32, #tpu.memory_space<vmem>>[vector<16xi32>], vector<16xf32>,
      %add3A_119 = arith.addf %add3A_110, %gather3A_118 : vector<16xf32>
      %add3A_120 = arith.constant 12 : i32
      %add3A_121 = vector.broadcast %add3A_120 : i32 to vector<16xi32>
      %add3A_122 = arith.addi %add3A_19, %add3A_121 : vector<16xi32>
      %gather3A_123 = tpu.vector_load_idx %arg5[%add3A_122] : memref<26624xi32, #tpu.memory_space<vmem>>[vector<16xi32>], vector<16xi32>,
      %add3A_124 = arith.constant 768 : i32
      %add3A_125 = vector.broadcast %add3A_124 : i32 to vector<16xi32>
      %add3A_126 = arith.addi %gather3A_123, %add3A_125 : vector<16xi32>
      %gather3A_127 = tpu.vector_load_idx %arg6[%add3A_126] : memref<1664xf32, #tpu.memory_space<vmem>>[vector<16xi32>], vector<16xf32>,
      %add3A_128 = arith.addf %add3A_119, %gather3A_127 : vector<16xf32>
      %add3A_129 = arith.constant 13 : i32
      %add3A_130 = vector.broadcast %add3A_129 : i32 to vector<16xi32>
      %add3A_131 = arith.addi %add3A_19, %add3A_130 : vector<16xi32>
      %gather3A_132 = tpu.vector_load_idx %arg5[%add3A_131] : memref<26624xi32, #tpu.memory_space<vmem>>[vector<16xi32>], vector<16xi32>,
      %add3A_133 = arith.constant 832 : i32
      %add3A_134 = vector.broadcast %add3A_133 : i32 to vector<16xi32>
      %add3A_135 = arith.addi %gather3A_132, %add3A_134 : vector<16xi32>
      %gather3A_136 = tpu.vector_load_idx %arg6[%add3A_135] : memref<1664xf32, #tpu.memory_space<vmem>>[vector<16xi32>], vector<16xf32>,
      %add3A_137 = arith.addf %add3A_128, %gather3A_136 : vector<16xf32>
      %add3A_138 = arith.constant 14 : i32
      %add3A_139 = vector.broadcast %add3A_138 : i32 to vector<16xi32>
      %add3A_140 = arith.addi %add3A_19, %add3A_139 : vector<16xi32>
      %gather3A_141 = tpu.vector_load_idx %arg5[%add3A_140] : memref<26624xi32, #tpu.memory_space<vmem>>[vector<16xi32>], vector<16xi32>,
      %add3A_142 = arith.constant 896 : i32
      %add3A_143 = vector.broadcast %add3A_142 : i32 to vector<16xi32>
      %add3A_144 = arith.addi %gather3A_141, %add3A_143 : vector<16xi32>
      %gather3A_145 = tpu.vector_load_idx %arg6[%add3A_144] : memref<1664xf32, #tpu.memory_space<vmem>>[vector<16xi32>], vector<16xf32>,
      %add3A_146 = arith.addf %add3A_137, %gather3A_145 : vector<16xf32>
      %add3A_147 = arith.constant 15 : i32
      %add3A_148 = vector.broadcast %add3A_147 : i32 to vector<16xi32>
      %add3A_149 = arith.addi %add3A_19, %add3A_148 : vector<16xi32>
      %gather3A_150 = tpu.vector_load_idx %arg5[%add3A_149] : memref<26624xi32, #tpu.memory_space<vmem>>[vector<16xi32>], vector<16xi32>,
      %add3A_151 = arith.constant 960 : i32
      %add3A_152 = vector.broadcast %add3A_151 : i32 to vector<16xi32>
      %add3A_153 = arith.addi %gather3A_150, %add3A_152 : vector<16xi32>
      %gather3A_154 = tpu.vector_load_idx %arg6[%add3A_153] : memref<1664xf32, #tpu.memory_space<vmem>>[vector<16xi32>], vector<16xf32>,
      %add3A_155 = arith.addf %add3A_146, %gather3A_154 : vector<16xf32>
      %add3A_156 = arith.constant 16 : i32
      %add3A_157 = vector.broadcast %add3A_156 : i32 to vector<16xi32>
      %add3A_158 = arith.addi %add3A_19, %add3A_157 : vector<16xi32>
      %gather3A_159 = tpu.vector_load_idx %arg5[%add3A_158] : memref<26624xi32, #tpu.memory_space<vmem>>[vector<16xi32>], vector<16xi32>,
      %add3A_160 = arith.constant 1024 : i32
      %add3A_161 = vector.broadcast %add3A_160 : i32 to vector<16xi32>
      %add3A_162 = arith.addi %gather3A_159, %add3A_161 : vector<16xi32>
      %gather3A_163 = tpu.vector_load_idx %arg6[%add3A_162] : memref<1664xf32, #tpu.memory_space<vmem>>[vector<16xi32>], vector<16xf32>,
      %add3A_164 = arith.addf %add3A_155, %gather3A_163 : vector<16xf32>
      %add3A_165 = arith.constant 17 : i32
      %add3A_166 = vector.broadcast %add3A_165 : i32 to vector<16xi32>
      %add3A_167 = arith.addi %add3A_19, %add3A_166 : vector<16xi32>
      %gather3A_168 = tpu.vector_load_idx %arg5[%add3A_167] : memref<26624xi32, #tpu.memory_space<vmem>>[vector<16xi32>], vector<16xi32>,
      %add3A_169 = arith.constant 1088 : i32
      %add3A_170 = vector.broadcast %add3A_169 : i32 to vector<16xi32>
      %add3A_171 = arith.addi %gather3A_168, %add3A_170 : vector<16xi32>
      %gather3A_172 = tpu.vector_load_idx %arg6[%add3A_171] : memref<1664xf32, #tpu.memory_space<vmem>>[vector<16xi32>], vector<16xf32>,
      %add3A_173 = arith.addf %add3A_164, %gather3A_172 : vector<16xf32>
      %add3A_174 = arith.constant 18 : i32
      %add3A_175 = vector.broadcast %add3A_174 : i32 to vector<16xi32>
      %add3A_176 = arith.addi %add3A_19, %add3A_175 : vector<16xi32>
      %gather3A_177 = tpu.vector_load_idx %arg5[%add3A_176] : memref<26624xi32, #tpu.memory_space<vmem>>[vector<16xi32>], vector<16xi32>,
      %add3A_178 = arith.constant 1152 : i32
      %add3A_179 = vector.broadcast %add3A_178 : i32 to vector<16xi32>
      %add3A_180 = arith.addi %gather3A_177, %add3A_179 : vector<16xi32>
      %gather3A_181 = tpu.vector_load_idx %arg6[%add3A_180] : memref<1664xf32, #tpu.memory_space<vmem>>[vector<16xi32>], vector<16xf32>,
      %add3A_182 = arith.addf %add3A_173, %gather3A_181 : vector<16xf32>
      %add3A_183 = arith.constant 19 : i32
      %add3A_184 = vector.broadcast %add3A_183 : i32 to vector<16xi32>
      %add3A_185 = arith.addi %add3A_19, %add3A_184 : vector<16xi32>
      %gather3A_186 = tpu.vector_load_idx %arg5[%add3A_185] : memref<26624xi32, #tpu.memory_space<vmem>>[vector<16xi32>], vector<16xi32>,
      %add3A_187 = arith.constant 1216 : i32
      %add3A_188 = vector.broadcast %add3A_187 : i32 to vector<16xi32>
      %add3A_189 = arith.addi %gather3A_186, %add3A_188 : vector<16xi32>
      %gather3A_190 = tpu.vector_load_idx %arg6[%add3A_189] : memref<1664xf32, #tpu.memory_space<vmem>>[vector<16xi32>], vector<16xf32>,
      %add3A_191 = arith.addf %add3A_182, %gather3A_190 : vector<16xf32>
      %add3A_192 = arith.constant 20 : i32
      %add3A_193 = vector.broadcast %add3A_192 : i32 to vector<16xi32>
      %add3A_194 = arith.addi %add3A_19, %add3A_193 : vector<16xi32>
      %gather3A_195 = tpu.vector_load_idx %arg5[%add3A_194] : memref<26624xi32, #tpu.memory_space<vmem>>[vector<16xi32>], vector<16xi32>,
      %add3A_196 = arith.constant 1280 : i32
      %add3A_197 = vector.broadcast %add3A_196 : i32 to vector<16xi32>
      %add3A_198 = arith.addi %gather3A_195, %add3A_197 : vector<16xi32>
      %gather3A_199 = tpu.vector_load_idx %arg6[%add3A_198] : memref<1664xf32, #tpu.memory_space<vmem>>[vector<16xi32>], vector<16xf32>,
      %add3A_200 = arith.addf %add3A_191, %gather3A_199 : vector<16xf32>
      %add3A_201 = arith.constant 21 : i32
      %add3A_202 = vector.broadcast %add3A_201 : i32 to vector<16xi32>
      %add3A_203 = arith.addi %add3A_19, %add3A_202 : vector<16xi32>
      %gather3A_204 = tpu.vector_load_idx %arg5[%add3A_203] : memref<26624xi32, #tpu.memory_space<vmem>>[vector<16xi32>], vector<16xi32>,
      %add3A_205 = arith.constant 1344 : i32
      %add3A_206 = vector.broadcast %add3A_205 : i32 to vector<16xi32>
      %add3A_207 = arith.addi %gather3A_204, %add3A_206 : vector<16xi32>
      %gather3A_208 = tpu.vector_load_idx %arg6[%add3A_207] : memref<1664xf32, #tpu.memory_space<vmem>>[vector<16xi32>], vector<16xf32>,
      %add3A_209 = arith.addf %add3A_200, %gather3A_208 : vector<16xf32>
      %add3A_210 = arith.constant 22 : i32
      %add3A_211 = vector.broadcast %add3A_210 : i32 to vector<16xi32>
      %add3A_212 = arith.addi %add3A_19, %add3A_211 : vector<16xi32>
      %gather3A_213 = tpu.vector_load_idx %arg5[%add3A_212] : memref<26624xi32, #tpu.memory_space<vmem>>[vector<16xi32>], vector<16xi32>,
      %add3A_214 = arith.constant 1408 : i32
      %add3A_215 = vector.broadcast %add3A_214 : i32 to vector<16xi32>
      %add3A_216 = arith.addi %gather3A_213, %add3A_215 : vector<16xi32>
      %gather3A_217 = tpu.vector_load_idx %arg6[%add3A_216] : memref<1664xf32, #tpu.memory_space<vmem>>[vector<16xi32>], vector<16xf32>,
      %add3A_218 = arith.addf %add3A_209, %gather3A_217 : vector<16xf32>
      %add3A_219 = arith.constant 23 : i32
      %add3A_220 = vector.broadcast %add3A_219 : i32 to vector<16xi32>
      %add3A_221 = arith.addi %add3A_19, %add3A_220 : vector<16xi32>
      %gather3A_222 = tpu.vector_load_idx %arg5[%add3A_221] : memref<26624xi32, #tpu.memory_space<vmem>>[vector<16xi32>], vector<16xi32>,
      %add3A_223 = arith.constant 1472 : i32
      %add3A_224 = vector.broadcast %add3A_223 : i32 to vector<16xi32>
      %add3A_225 = arith.addi %gather3A_222, %add3A_224 : vector<16xi32>
      %gather3A_226 = tpu.vector_load_idx %arg6[%add3A_225] : memref<1664xf32, #tpu.memory_space<vmem>>[vector<16xi32>], vector<16xf32>,
      %add3A_227 = arith.addf %add3A_218, %gather3A_226 : vector<16xf32>
      %add3A_228 = arith.constant 24 : i32
      %add3A_229 = vector.broadcast %add3A_228 : i32 to vector<16xi32>
      %add3A_230 = arith.addi %add3A_19, %add3A_229 : vector<16xi32>
      %gather3A_231 = tpu.vector_load_idx %arg5[%add3A_230] : memref<26624xi32, #tpu.memory_space<vmem>>[vector<16xi32>], vector<16xi32>,
      %add3A_232 = arith.constant 1536 : i32
      %add3A_233 = vector.broadcast %add3A_232 : i32 to vector<16xi32>
      %add3A_234 = arith.addi %gather3A_231, %add3A_233 : vector<16xi32>
      %gather3A_235 = tpu.vector_load_idx %arg6[%add3A_234] : memref<1664xf32, #tpu.memory_space<vmem>>[vector<16xi32>], vector<16xf32>,
      %add3A_236 = arith.addf %add3A_227, %gather3A_235 : vector<16xf32>
      %add3A_237 = arith.constant 25 : i32
      %add3A_238 = vector.broadcast %add3A_237 : i32 to vector<16xi32>
      %add3A_239 = arith.addi %add3A_19, %add3A_238 : vector<16xi32>
      %gather3A_240 = tpu.vector_load_idx %arg5[%add3A_239] : memref<26624xi32, #tpu.memory_space<vmem>>[vector<16xi32>], vector<16xi32>,
      %add3A_241 = arith.constant 1600 : i32
      %add3A_242 = vector.broadcast %add3A_241 : i32 to vector<16xi32>
      %add3A_243 = arith.addi %gather3A_240, %add3A_242 : vector<16xi32>
      %gather3A_244 = tpu.vector_load_idx %arg6[%add3A_243] : memref<1664xf32, #tpu.memory_space<vmem>>[vector<16xi32>], vector<16xf32>,
      %add3A_245 = arith.addf %add3A_236, %gather3A_244 : vector<16xf32>
      %mul3A_246 = arith.constant 16 : i32
      %mul3A_247 = arith.muli %scan3A_15, %mul3A_246 : i32
      %swap3A = arith.index_cast %mul3A_247 : i32 to index
      %swap3A_248 = tpu.vector_load %arg7[%swap3A] {strides = array<i32>} : memref<1024xf32, #tpu.memory_space<vmem>>, vector<16xf32>,
      tpu.vector_store %arg7[%swap3A], %add3A_245 {strides = array<i32>} : memref<1024xf32, #tpu.memory_space<vmem>>, vector<16xf32>,
    }
    %scan3A_14 = arith.constant 64 : i32
    "tpu.region"() ({
      %run_scoped3A = tpu.sem_alloc : memref<!tpu.dma_semaphore, #tpu.memory_space<semaphore_mem>>
      %dma_start3A_15 = tpu.memref_slice %arg4[%mul3A_2] : memref<16384xf32, #tpu.memory_space<hbm>> -> memref<1024xf32, #tpu.memory_space<hbm>>
      %dma_start3A_16 = tpu.memref_slice %arg4[%mul3A_2] : memref<16384xf32, #tpu.memory_space<hbm>> -> memref<1024xf32, #tpu.memory_space<hbm>>
      tpu.enqueue_dma source(%arg7 : memref<1024xf32, #tpu.memory_space<vmem>>) target(%dma_start3A_16 : memref<1024xf32, #tpu.memory_space<hbm>>) target_semaphore(%run_scoped3A : memref<!tpu.dma_semaphore, #tpu.memory_space<semaphore_mem>>)
      %dma_wait3A_17 = tpu.memref_slice %arg4[%mul3A_2] : memref<16384xf32, #tpu.memory_space<hbm>> -> memref<1024xf32, #tpu.memory_space<hbm>>
      %dma_wait3A_18 = tpu.memref_slice %arg4[%mul3A_2] : memref<16384xf32, #tpu.memory_space<hbm>> -> memref<1024xf32, #tpu.memory_space<hbm>>
      tpu.wait_dma2 semaphore(%run_scoped3A : memref<!tpu.dma_semaphore, #tpu.memory_space<semaphore_mem>>) src(%arg7 : memref<1024xf32, #tpu.memory_space<vmem>>) dst(%dma_wait3A_18 : memref<1024xf32, #tpu.memory_space<hbm>>)
      tpu.yield
    }) : () -> ()
    return
  }
}

</mosaic_0001>

<sc_bundles>
// kernel: kernel.3.cloned.1.call-start
scs
__scs_entry_jumppad:
0x0: {  	(pc) =	sbr.rel $0x88, $3  }
0x1: {  	(tag) =	ssettag $0x0;
	lr =	simm.s32 $0x1  }
0x2: {  	[smem:$0x3F9E] =	sst lr;
	_ =	strace $0xD0000000  }
0x3: {  	_ = 	snop  }
0x4: {  	_ = 	snop  }
0x5: {  	_ = 	snop  }
0x6: {  	_ = 	snop  }
0x7: {  	_ = 	snop  }
__scs_overlays_trampoline_lowered:
0x8: {  	[smem:$0x3FAD] =	sst s0  }
0x9: {  	[smem:$0x3FAE] =	sst s1  }
0xa: {  	[smem:$0x3FAF] =	sst s2  }
0xb: {  	[smem:$0x3FB0] =	sst s3  }
0xc: {  	[smem:$0x3FB1] =	sst s4  }
0xd: {  	[smem:$0x3FB2] =	sst s5  }
0xe: {  	[smem:$0x3FB3] =	sst s6  }
0xf: {  	[smem:$0x3FB4] =	sst s7  }
0x10: {  	[smem:$0x3FB5] =	sst s8  }
0x11: {  	[smem:$0x3FB6] =	sst s9;
	s0 =	simm.s32 @!p0 $0x0  }
0x12: {  	s1 =	sld [smem:$0x3F9C];
	s0 =	simm.s32 @p0 $0x1  }
0x13: {  	[smem:$0x3FB7] =	sst s0;
	s0 =	simm.s32 @!p1 $0x0  }
0x14: {  	s2 =	sld [smem:$0x3F9B];
	s0 =	simm.s32 @p1 $0x1  }
0x15: {  	[smem:$0x3FB8] =	sst s0;
	s0 =	simm.s32 @!p2 $0x0  }
0x16: {  	s3 =	sld [smem:$0x3FDB];
	s0 =	simm.s32 @p2 $0x1  }
0x17: {  	s4 =	simm.s32 $0x1BF5;
	[smem:$0x3FBA] =	sst s0  }
0x18: {  	s0 =	sld [smem:$0x3F9D];
	_ =	swait.ge [sflag:s4], $0x0  }
0x19: {  	s7 =	sld [smem:$0x3F9E]  }
0x1a: {  	s8 =	sadd.s32 $0xFFFFE003, lr  }
0x1b: {  	s9 =	sadd.s32 $0xFFFFFEF7, lr;
	s5 =	simm.s32 $0xFFFFFFFF;
	p2 =	slt.u32 s8, $0xFFFFF086  }
0x1c: {  	p1 =	slt.u32 s9, $0xF7A;
	s5 =	simm.s32 @!p2 $0x0  }
0x1d: {  	s5 =	simm.s32 @p1 $0x1;
	p0 =	seq.s32 s7, s2  }
0x1e: {  	s7 =	smul.u32 @!p0 $0xF7A, s2;
	p2 =	seq.s32 @!p0 s5, $0x0  }
0x1f: {  	s9 =	smul.u32 $0xF7A, s1;
	s8 =	simm.s32 @!p0 $0x1BF5;
	p2 =	por !p2, p0  }
0x20: {  	[sflag:s8] =	ssyncset.s32 @!p0 $0xFFFFF086;
	s6 =	sadd.s32 @!p0 s3, s7;
	s7 =	simm.s32 @!p0 $0x108  }
0x21: {  	s3 =	sadd.s32 s3, s9;
	s6 =	sadd.s32 @!p0 $0x88, s6;
	s7 =	simm.s32 @p2 $0x1082  }
0x22: {  	[simem:s7], [sflag:s8] =	dma.local @!p0 [hbm:s6], $0xF7A  }
0x23: {  	s9 =	sor.u32 $0xD0000000, s2;
	s6 =	simm.s32 $0x108;
	_ =	swait.ge @!p0 [sflag:s8], $0x0  }
0x24: {  	s3 =	sadd.s32 $0x88, s3;
	s6 =	simm.s32 @!p1 $0x1082;
	[sflag:s4] =	ssyncset.s32 $0xFFFFF086  }
0x25: {  	[simem:s6], [sflag:s4] =	dma.local [hbm:s3], $0xF7A  }
0x26: {  	[smem:$0x3F9E] =	sst s1;
	(tag) =	ssettag s2;
	_ =	strace s9  }
0x27: {  	s1 =	sld [smem:$0x3FAE]  }
0x28: {  	s2 =	sld [smem:$0x3FAF]  }
0x29: {  	s4 =	sld [smem:$0x3FB1]  }
0x2a: {  	p0 =	seq.s32 s5, $0x0;
	s5 =	sld [smem:$0x3FB2]  }
0x2b: {  	s6 =	sld [smem:$0x3FB3]  }
0x2c: {  	s7 =	sld [smem:$0x3FB4]  }
0x2d: {  	s3 =	simm.s32 $0x108;
	s8 =	sld [smem:$0x3FB5]  }
0x2e: {  	s3 =	simm.s32 @!p0 $0x1082;
	s9 =	sld [smem:$0x3FB6]  }
0x2f: {  	lr =	sadd.s32 s0, s3;
	s0 =	sld [smem:$0x3FAD]  }
0x30: {  	s3 =	sld [smem:$0x3FB0]  }
0x31: {  	[smem:$0x3FB9] =	sst s10  }
0x32: {  	s10 =	sld [smem:$0x3FB7];
	_ =	sdelay $0x3  }
0x33: {  	p0 =	seq.s32 s10, $0x1;
	s10 =	sld [smem:$0x3FB9];
	_ =	sdelay $0x3  }
0x34: {  	[smem:$0x3FB9] =	sst s10  }
0x35: {  	s10 =	sld [smem:$0x3FB8];
	_ =	sdelay $0x3  }
0x36: {  	p1 =	seq.s32 s10, $0x1;
	s10 =	sld [smem:$0x3FB9];
	_ =	sdelay $0x3  }
0x37: {  	[smem:$0x3FB9] =	sst s10  }
0x38: {  	s10 =	sld [smem:$0x3FBA]  }
0x39: {  	_ = 	snop;
	(pc) =	sbr.ind lr, $3  }
0x3a: {  	_ = 	snop  }
0x3b: {  	_ = 	snop  }
0x3c: {  	p2 =	seq.s32 s10, $0x1;
	s10 =	sld [smem:$0x3FB9]  }
0x3d: {  	_ =	shalt  }
0x3e: {  	_ =	shalt  }
0x3f: {  	_ =	shalt  }
0x40: {  	_ =	shalt  }
0x41: {  	_ =	shalt  }
0x42: {  	_ =	shalt  }
0x43: {  	_ =	shalt  }
0x44: {  	_ =	shalt  }
0x45: {  	_ =	shalt  }
0x46: {  	_ =	shalt  }
0x47: {  	_ =	shalt  }
0x48: {  	_ =	shalt  }
0x49: {  	_ =	shalt  }
0x4a: {  	_ =	shalt  }
0x4b: {  	_ =	shalt  }
0x4c: {  	_ =	shalt  }
0x4d: {  	_ =	shalt  }
0x4e: {  	_ =	shalt  }
0x4f: {  	_ =	shalt  }
0x50: {  	_ =	shalt  }
0x51: {  	_ =	shalt  }
0x52: {  	_ =	shalt  }
0x53: {  	_ =	shalt  }
0x54: {  	_ =	shalt  }
0x55: {  	_ =	shalt  }
0x56: {  	_ =	shalt  }
0x57: {  	_ =	shalt  }
0x58: {  	_ =	shalt  }
0x59: {  	_ =	shalt  }
0x5a: {  	_ =	shalt  }
0x5b: {  	_ =	shalt  }
0x5c: {  	_ =	shalt  }
0x5d: {  	_ =	shalt  }
0x5e: {  	_ =	shalt  }
0x5f: {  	_ =	shalt  }
0x60: {  	_ =	shalt  }
0x61: {  	_ =	shalt  }
0x62: {  	_ =	shalt  }
0x63: {  	_ =	shalt  }
0x64: {  	_ =	shalt  }
0x65: {  	_ =	shalt  }
0x66: {  	_ =	shalt  }
0x67: {  	_ =	shalt  }
0x68: {  	_ =	shalt  }
0x69: {  	_ =	shalt  }
0x6a: {  	_ =	shalt  }
0x6b: {  	_ =	shalt  }
0x6c: {  	_ =	shalt  }
0x6d: {  	_ =	shalt  }
0x6e: {  	_ =	shalt  }
0x6f: {  	_ =	shalt  }
0x70: {  	_ =	shalt  }
0x71: {  	_ =	shalt  }
0x72: {  	_ =	shalt  }
0x73: {  	_ =	shalt  }
0x74: {  	_ =	shalt  }
0x75: {  	_ =	shalt  }
0x76: {  	_ =	shalt  }
0x77: {  	_ =	shalt  }
0x78: {  	_ =	shalt  }
0x79: {  	_ =	shalt  }
0x7a: {  	_ =	shalt  }
0x7b: {  	_ =	shalt  }
0x7c: {  	_ =	shalt  }
0x7d: {  	_ =	shalt  }
0x7e: {  	_ =	shalt  }
0x7f: {  	_ =	shalt  }
0x80: {  	_ =	shalt  }
0x81: {  	_ =	shalt  }
0x82: {  	_ =	shalt  }
0x83: {  	_ =	shalt  }
0x84: {  	_ =	shalt  }
0x85: {  	_ =	shalt  }
0x86: {  	_ =	shalt  }
0x87: {  	_ =	shalt  }
.Lfunc_end0:
.L_simem_size_0:
called_computation_lowered:
.L_overlay_start_0:
0x88: {  	s0 =	sld [smem:$0x3FD9]  }
0x89: {  	s1 =	sld [smem:$0x3FFE];
	_ =	sdelay $0x3  }
0x8a: {  	s0 =	sadd.s32 s1, s0  }
0x8b: {  	[smem:$0x3FC5] =	sst s0  }
0x8c: {  	_ = 	snop  }
0x8d: {  	s0 =	sld [smem:$0x3FD0];
	(tm) =	ssettm $0x1  }
0x8e: {  	s16 =	sld [smem:$0x3FFB];
	_ =	sdelay $0x3  }
0x8f: {  	_ =	strace s16  }
0x90: {  	s1 =	sld [smem:$0x3FFC];
	_ =	sdelay $0x3  }
0x91: {  	_ =	strace s1  }
0x92: {  	s1 =	sld [smem:$0x3FFD];
	_ =	sdelay $0x3  }
0x93: {  	_ =	strace s1  }
0x94: {  	_ =	strace $0x8FFFFFFF  }
0x95: {  	s17 =	sld [smem:$0x3FDB];
	_ =	sdelay $0x1  }
0x96: {  	s2 =	simm.s32 $_scs_section_size  }
0x97: {  	s3 =	simm.s32 $_size__tile_overlayer_lowered;
	s4 =	simm.s32 $_tile_overlayer_lowered  }
0x98: {  	s20 =	simm.s32 $0x1BFF;
	s19 =	sshll.u32 s4, $0x1;
	s1 =	sadd.s32 s2, s17  }
0x99: {  	s5 =	simm.s32 $0x0;
	s18 =	sshll.u32 s3, $0x1;
	s3 =	sadd.s32 s19, s1  }
0x9a: {  	[timem:s5], [sflag:s20] =	dma.local [hbm:s3], s18  }
0x9b: {  	_ =	swait.ge [sflag:s20], s18  }
0x9c: {  	s2 =	ssub.s32 $0x0, s18;
	[sflag:s20] =	ssyncset.done $0x0  }
0x9d: {  	[sflag:s20] =	ssyncadd.s32 s2;
	_ =	sdelay $0x1  }
0x9e: {  	s21 =	simm.s32 $0x1B8B  }
0x9f: {  	_ =	swait.ge [sflag:s21], $0x1  }
0xa0: {  	[sflag:s21] =	ssyncset.done $0x0  }
0xa1: {  	s23 =	simm.s32 $0x1B8E;
	s22 =	sld [smem:$0x3FFE];
	[sflag:s21] =	ssyncadd.s32 $0xFFFFFFFF  }
0xa2: {  	s24 =	simm.s32 $execute0_lowered;
	[smem:$0x3FD2] =	sst s23  }
0xa3: {  	s3 =	sshll.u32 s24, $0x1;
	_ =	strace $0x80000046;
	[dreg:$0x1] =	wrdreg $0xFFFFFFFF  }
0xa4: {  	s25 =	simm.s32 $_size_execute0_lowered;
	s1 =	sadd.s32 s1, s3;
	[dreg:$0x0] =	wrdreg $0x0  }
0xa5: {  	s3 =	sshll.u32 s25, $0x1;
	[dreg:$0x2] =	wrdreg s1  }
0xa6: {  	[dreg:$0x3] =	wrdreg s3  }
0xa7: {  	[dreg:$0x4] =	wrdreg $0xC0  }
0xa8: {  	_ =	task [dreg:s5], $0x5FFFF  }
0xa9: {  	[dreg:$0x1] =	wrdreg $0xFFFFFFFF  }
0xaa: {  	[dreg:$0x0] =	wrdreg $0x60  }
0xab: {  	[dreg:$0x2] =	wrdreg s22  }
0xac: {  	[dreg:$0x3] =	wrdreg s0  }
0xad: {  	[dreg:$0x4] =	wrdreg $0x9  }
0xae: {  	_ =	task.clear_ibuf [dreg:s5], $0x5FFFF;
	_ =	strace $0x90000046  }
0xaf: {  	s26 =	simm.s32 $0x9;
	_ =	strace $0x80000048  }
0xb0: {  	_ =	swait.ge [sflag:s26], $0x1  }
0xb1: {  	[sflag:s26] =	ssyncadd.s32 $0xFFFFFFFF  }
0xb2: {  	_ =	strace $0x90000048  }
0xb3: {  	_ =	sfence  }
0xb4: {  	s28 =	sld [smem:$0x0];
	_ =	sdelay $0x1  }
0xb5: {  	s29 =	srdreg.scid  }
0xb6: {  	s30 =	sshll.u32 s29, $0xD;
	s31 =	sshrl.u32 s29, $0x2  }
0xb7: {  	s2 =	sand.u32 $0x4000, s30;
	s1 =	sand.u32 $0x1, s29;
	s0 =	sadd.s32 s31, s28  }
0xb8: {  	s1 =	sor.u32 s2, s1;
	s0 =	sshll.u32 s0, $0x11  }
0xb9: {  	s0 =	sor.u32 s0, s1  }
0xba: {  	s0 =	sadd.s32 $0x8F2B, s0  }
0xbb: {  	[sflag:s0] =	ssyncadd.remote.s32 $0x1  }
0xbc: {  	_ =	sfence.sel $0xFFFF  }
0xbd: {  	[dreg:$0x0] =	wrdreg $0xFFFFFFFF;
	(pc) =	sbr.abs _section_cstart, $3  }
0xbe: {  	[dreg:$0x1] =	wrdreg $0xFFFFFFFF  }
0xbf: {  	_ =	task.clear_ibuf [dreg:s5], $0x2FFFF;
	_ =	strace $0x9FFFFFFF  }
0xc0: {  	(tm) =	ssettm $0x7FFFFFFF  }
0xc1: {  	_ =	shalt  }
tec
execute0_lowered:
.L_overlay_start_1:
0x0: {  	(tag) =	ssettag $0x1  }
0x1: {  	s0 =	stileid.u32  }
0x2: {  	s3 =	rddreg [dreg:$0x0];
	s5 =	smul.u32 $0xD00, s0  }
0x3: {  	s2 =	rddreg [dreg:$0x1];
	s4 =	simm.s32 $0x0  }
0x4: {  	[smem:$0x7FF] =	sst s4;
	s5 =	sadd.s32 s5, s3  }
0x5: {  	s1 =	rddreg [dreg:$0x2];
	_ =	strace $0x80000047;
	s5 =	sadd.s32 $0x400, s5  }
0x6: {  	v0 =	vlaneseq.u32;
	[tilespmem:s4], [sflag:$0x1] =	stream.linear.gather [hbm4b:s5+s4], $0x6800, $0x38;
	[tilespmem:$0x7280] =	vst v63  }
0x7: {  	s30 =	simm.s32 $0x2;
	s29 =	sadd.s32 $0xD400, s3;
	v0 =	vmul.u32 $0x1A, v0;
	s3 =	simm.s32 $0x6800  }
0x8: {  	[tilespmem:s3], [sflag:$0x2] =	stream.linear.gather [hbm4b:s29+s4], $0x680, $0x38;
	[tilespmem:$0x7280] =	vst v63  }
0x9: {  	v1 =	vor.u32 $0x1, v0;
	_ =	swait.ge [sflag:s30], $0x680  }
0xa: {  	v4 =	vadd.s32 s4, v1;
	[sflag:s30] =	ssyncset.done $0x0  }
0xb: {  	s31 =	simm.s32 $0x1;
	v2 =	vadd.s32 $0x2, v0;
	v6 =	vadd.s32 s4, v0;
	[sflag:s30] =	ssyncadd.s32 $0xFFFFF980  }
0xc: {  	v7 =	vadd.s32 s4, v2;
	_ =	swait.ge [sflag:s31], $0x6800  }
0xd: {  	v5 =	vadd.s32 $0x3, v0;
	[sflag:s31] =	ssyncset.done $0x0  }
0xe: {  	v8 =	vadd.s32 s4, v5;
	[sflag:s31] =	ssyncadd.s32 $0xFFFF9800  }
0xf: {  	v3 =	vadd.s32 $0x4, v0;
	v9 =	vld.idx.msk [tilespmem:v4+s4+$0x0], $0xffff  }
0x10: {  	v11 =	vadd.s32 s4, v3;
	v4 =	vadd.s32 $0x5, v0;
	v10 =	vld.idx.msk [tilespmem:v6+s4+$0x0], $0xffff  }
0x11: {  	v6 =	vadd.s32 $0x6, v0;
	v12 =	vld.idx.msk [tilespmem:v7+s4+$0x0], $0xffff;
	v13 =	vadd.s32 s4, v4  }
0x12: {  	v14 =	vadd.s32 s4, v6  }
0x13: {  	v15 =	vld.idx.msk [tilespmem:v8+s4+$0x0], $0xffff  }
0x14: {  	v7 =	vadd.s32 $0x7, v0;
	v16 =	vadd.s32 $0x40, v9  }
0x15: {  	v11 =	vld.idx.msk [tilespmem:v11+s4+$0x0], $0xffff;
	v17 =	vadd.s32 s4, v7  }
0x16: {  	v8 =	vadd.s32 $0x8, v0;
	v12 =	vadd.s32 $0x80, v12;
	v13 =	vld.idx.msk [tilespmem:v13+s4+$0x0], $0xffff  }
0x17: {  	v18 =	vadd.s32 s4, v8;
	v14 =	vld.idx.msk [tilespmem:v14+s4+$0x0], $0xffff  }
0x18: {  	v9 =	vadd.s32 $0x9, v0;
	v15 =	vadd.s32 $0xC0, v15;
	v19 =	vld.idx.msk [tilespmem:v10+s3+$0x0], $0xffff  }
0x19: {  	v20 =	vadd.s32 s4, v9;
	v16 =	vld.idx.msk [tilespmem:v16+s3+$0x0], $0xffff  }
0x1a: {  	v21 =	vadd.s32 $0x100, v11;
	v17 =	vld.idx.msk [tilespmem:v17+s4+$0x0], $0xffff;
	v10 =	vadd.s32 $0xA, v0  }
0x1b: {  	v23 =	vadd.s32 s4, v10;
	v22 =	vld.idx.msk [tilespmem:v12+s3+$0x0], $0xffff  }
0x1c: {  	v11 =	vadd.s32 $0xB, v0;
	v18 =	vld.idx.msk [tilespmem:v18+s4+$0x0], $0xffff;
	v24 =	vadd.s32 $0x140, v13  }
0x1d: {  	v25 =	vadd.s32 s4, v11;
	v15 =	vld.idx.msk [tilespmem:v15+s3+$0x0], $0xffff  }
0x1e: {  	v26 =	vadd.s32 $0x180, v14;
	v20 =	vld.idx.msk [tilespmem:v20+s4+$0x0], $0xffff;
	v14 =	vadd.f32 v16, v19  }
0x1f: {  	v12 =	vadd.s32 $0xC, v0;
	v17 =	vadd.s32 $0x1C0, v17;
	v16 =	vld.idx.msk [tilespmem:v21+s3+$0x0], $0xffff  }
0x20: {  	v13 =	vadd.s32 $0xD, v0;
	v19 =	vadd.s32 s4, v12;
	v21 =	vld.idx.msk [tilespmem:v23+s4+$0x0], $0xffff;
	v22 =	vadd.f32 v22, v14  }
0x21: {  	v23 =	vld.idx.msk [tilespmem:v24+s3+$0x0], $0xffff;
	v24 =	vadd.s32 s4, v13  }
0x22: {  	v18 =	vadd.s32 $0x200, v18;
	v25 =	vld.idx.msk [tilespmem:v25+s4+$0x0], $0xffff;
	v14 =	vadd.s32 $0xE, v0;
	v22 =	vadd.f32 v15, v22  }
0x23: {  	v26 =	vld.idx.msk [tilespmem:v26+s3+$0x0], $0xffff;
	v27 =	vadd.s32 s4, v14  }
0x24: {  	v20 =	vadd.s32 $0x240, v20;
	v28 =	vld.idx.msk [tilespmem:v17+s3+$0x0], $0xffff;
	v15 =	vadd.s32 $0xF, v0;
	v22 =	vadd.f32 v16, v22  }
0x25: {  	v19 =	vld.idx.msk [tilespmem:v19+s4+$0x0], $0xffff;
	v29 =	vadd.s32 s4, v15  }
0x26: {  	v21 =	vadd.s32 $0x280, v21;
	v16 =	vadd.s32 $0x10, v0;
	v24 =	vld.idx.msk [tilespmem:v24+s4+$0x0], $0xffff;
	v22 =	vadd.f32 v23, v22  }
0x27: {  	v30 =	vadd.s32 s4, v16;
	v23 =	vld.idx.msk [tilespmem:v18+s3+$0x0], $0xffff  }
0x28: {  	v17 =	vadd.s32 $0x11, v0;
	v25 =	vadd.s32 $0x2C0, v25;
	v27 =	vld.idx.msk [tilespmem:v27+s4+$0x0], $0xffff;
	v22 =	vadd.f32 v26, v22  }
0x29: {  	v31 =	vadd.s32 s4, v17;
	v26 =	vld.idx.msk [tilespmem:v20+s3+$0x0], $0xffff  }
0x2a: {  	v32 =	vadd.s32 $0x300, v19;
	v29 =	vld.idx.msk [tilespmem:v29+s4+$0x0], $0xffff;
	v20 =	vadd.f32 v28, v22  }
0x2b: {  	v18 =	vadd.s32 $0x12, v0;
	v24 =	vadd.s32 $0x340, v24;
	v22 =	vld.idx.msk [tilespmem:v21+s3+$0x0], $0xffff  }
0x2c: {  	v19 =	vadd.s32 $0x13, v0;
	v28 =	vadd.s32 s4, v18;
	v30 =	vld.idx.msk [tilespmem:v30+s4+$0x0], $0xffff;
	v21 =	vadd.f32 v23, v20  }
0x2d: {  	v23 =	vld.idx.msk [tilespmem:v25+s3+$0x0], $0xffff;
	v25 =	vadd.s32 s4, v19  }
0x2e: {  	v31 =	vld.idx.msk [tilespmem:v31+s4+$0x0], $0xffff;
	v27 =	vadd.s32 $0x380, v27;
	v20 =	vadd.s32 $0x14, v0;
	v26 =	vadd.f32 v26, v21  }
0x2f: {  	v32 =	vld.idx.msk [tilespmem:v32+s3+$0x0], $0xffff;
	v33 =	vadd.s32 s4, v20  }
0x30: {  	v29 =	vadd.s32 $0x3C0, v29;
	v21 =	vadd.s32 $0x15, v0;
	v34 =	vld.idx.msk [tilespmem:v24+s3+$0x0], $0xffff;
	v26 =	vadd.f32 v22, v26  }
0x31: {  	v28 =	vld.idx.msk [tilespmem:v28+s4+$0x0], $0xffff;
	v35 =	vadd.s32 s4, v21  }
0x32: {  	v30 =	vadd.s32 $0x400, v30;
	v36 =	vld.idx.msk [tilespmem:v25+s4+$0x0], $0xffff;
	v24 =	vadd.f32 v23, v26  }
0x33: {  	v31 =	vadd.s32 $0x440, v31;
	v22 =	vadd.s32 $0x16, v0;
	v26 =	vld.idx.msk [tilespmem:v27+s3+$0x0], $0xffff  }
0x34: {  	v27 =	vadd.s32 s4, v22;
	v23 =	vadd.s32 $0x17, v0;
	v33 =	vld.idx.msk [tilespmem:v33+s4+$0x0], $0xffff;
	v25 =	vadd.f32 v32, v24  }
0x35: {  	v29 =	vld.idx.msk [tilespmem:v29+s3+$0x0], $0xffff;
	v45 =	vadd.s32 s4, v23  }
0x36: {  	v24 =	vadd.s32 $0x18, v0;
	v28 =	vadd.s32 $0x480, v28;
	v35 =	vld.idx.msk [tilespmem:v35+s4+$0x0], $0xffff;
	v34 =	vadd.f32 v34, v25  }
0x37: {  	v30 =	vld.idx.msk [tilespmem:v30+s3+$0x0], $0xffff;
	v37 =	vadd.s32 s4, v24  }
0x38: {  	v31 =	vld.idx.msk [tilespmem:v31+s3+$0x0], $0xffff;
	v25 =	vadd.s32 $0x19, v0;
	v36 =	vadd.s32 $0x4C0, v36;
	v26 =	vadd.f32 v26, v34  }
0x39: {  	v27 =	vld.idx.msk [tilespmem:v27+s4+$0x0], $0xffff;
	v46 =	vadd.s32 s4, v25  }
0x3a: {  	v33 =	vadd.s32 $0x500, v33;
	v32 =	vld.idx.msk [tilespmem:v45+s4+$0x0], $0xffff;
	v26 =	vadd.f32 v29, v26  }
0x3b: {  	v28 =	vld.idx.msk [tilespmem:v28+s3+$0x0], $0xffff  }
0x3c: {  	v29 =	vadd.s32 $0x540, v35;
	v47 =	vld.idx.msk [tilespmem:v37+s4+$0x0], $0xffff;
	v26 =	vadd.f32 v30, v26  }
0x3d: {  	v30 =	vld.idx.msk [tilespmem:v36+s3+$0x0], $0xffff  }
0x3e: {  	v27 =	vadd.s32 $0x580, v27;
	v34 =	vld.idx.msk [tilespmem:v46+s4+$0x0], $0xffff;
	v26 =	vadd.f32 v31, v26  }
0x3f: {  	v31 =	vld.idx.msk [tilespmem:v33+s3+$0x0], $0xffff  }
0x40: {  	v32 =	vadd.s32 $0x5C0, v32;
	v26 =	vadd.f32 v28, v26  }
0x41: {  	v28 =	vld.idx.msk [tilespmem:v29+s3+$0x0], $0xffff  }
0x42: {  	v29 =	vadd.s32 $0x600, v47;
	v26 =	vadd.f32 v30, v26  }
0x43: {  	v27 =	vld.idx.msk [tilespmem:v27+s3+$0x0], $0xffff  }
0x44: {  	v30 =	vadd.s32 $0x640, v34;
	v26 =	vadd.f32 v31, v26  }
0x45: {  	v31 =	vld.idx.msk [tilespmem:v32+s3+$0x0], $0xffff  }
0x46: {  	v26 =	vadd.f32 v28, v26  }
0x47: {  	v28 =	vld.idx.msk [tilespmem:v29+s3+$0x0], $0xffff  }
0x48: {  	v26 =	vadd.f32 v27, v26  }
0x49: {  	v27 =	vld.idx.msk [tilespmem:v30+s3+$0x0], $0xffff  }
0x4a: {  	v26 =	vadd.f32 v31, v26  }
0x4b: {  	s6 =	simm.s32 $0x1A0  }
0x4c: {  	v29 =	vadd.s32 s6, v1;
	v26 =	vadd.f32 v28, v26  }
0x4d: {  	v28 =	vadd.s32 s6, v0  }
0x4e: {  	v30 =	vadd.s32 s6, v2;
	v26 =	vadd.f32 v27, v26  }
0x4f: {  	s5 =	simm.s32 $0x6E80  }
0x50: {  	v27 =	vadd.s32 s6, v5;
	[tilespmem:s5+$0x0] =	vst v26  }
0x51: {  	v26 =	vld.idx.msk [tilespmem:v29+s4+$0x0], $0xffff  }
0x52: {  	v28 =	vld.idx.msk [tilespmem:v28+s4+$0x0], $0xffff;
	v29 =	vadd.s32 s6, v3  }
0x53: {  	v31 =	vadd.s32 s6, v4;
	v30 =	vld.idx.msk [tilespmem:v30+s4+$0x0], $0xffff  }
0x54: {  	v48 =	vadd.s32 s6, v6  }
0x55: {  	v27 =	vld.idx.msk [tilespmem:v27+s4+$0x0], $0xffff  }
0x56: {  	v26 =	vadd.s32 $0x40, v26  }
0x57: {  	v49 =	vadd.s32 s6, v7;
	v29 =	vld.idx.msk [tilespmem:v29+s4+$0x0], $0xffff  }
0x58: {  	v31 =	vld.idx.msk [tilespmem:v31+s4+$0x0], $0xffff;
	v30 =	vadd.s32 $0x80, v30  }
0x59: {  	v50 =	vadd.s32 s6, v8;
	v32 =	vld.idx.msk [tilespmem:v48+s4+$0x0], $0xffff  }
0x5a: {  	v27 =	vadd.s32 $0xC0, v27;
	v28 =	vld.idx.msk [tilespmem:v28+s3+$0x0], $0xffff  }
0x5b: {  	v51 =	vadd.s32 s6, v9;
	v26 =	vld.idx.msk [tilespmem:v26+s3+$0x0], $0xffff  }
0x5c: {  	v33 =	vld.idx.msk [tilespmem:v49+s4+$0x0], $0xffff;
	v29 =	vadd.s32 $0x100, v29  }
0x5d: {  	v52 =	vadd.s32 s6, v10;
	v30 =	vld.idx.msk [tilespmem:v30+s3+$0x0], $0xffff  }
0x5e: {  	v34 =	vld.idx.msk [tilespmem:v50+s4+$0x0], $0xffff;
	v31 =	vadd.s32 $0x140, v31  }
0x5f: {  	v53 =	vadd.s32 s6, v11;
	v27 =	vld.idx.msk [tilespmem:v27+s3+$0x0], $0xffff  }
0x60: {  	v35 =	vld.idx.msk [tilespmem:v51+s4+$0x0], $0xffff;
	v32 =	vadd.s32 $0x180, v32;
	v26 =	vadd.f32 v26, v28  }
0x61: {  	v28 =	vld.idx.msk [tilespmem:v29+s3+$0x0], $0xffff;
	v29 =	vadd.s32 s6, v12  }
0x62: {  	v36 =	vld.idx.msk [tilespmem:v52+s4+$0x0], $0xffff;
	v33 =	vadd.s32 $0x1C0, v33;
	v26 =	vadd.f32 v30, v26  }
0x63: {  	v30 =	vld.idx.msk [tilespmem:v31+s3+$0x0], $0xffff;
	v31 =	vadd.s32 s6, v13  }
0x64: {  	v37 =	vld.idx.msk [tilespmem:v53+s4+$0x0], $0xffff;
	v34 =	vadd.s32 $0x200, v34;
	v26 =	vadd.f32 v27, v26  }
0x65: {  	v54 =	vadd.s32 s6, v14;
	v27 =	vld.idx.msk [tilespmem:v32+s3+$0x0], $0xffff  }
0x66: {  	v35 =	vadd.s32 $0x240, v35;
	v29 =	vld.idx.msk [tilespmem:v29+s4+$0x0], $0xffff;
	v26 =	vadd.f32 v28, v26  }
0x67: {  	v55 =	vadd.s32 s6, v15;
	v28 =	vld.idx.msk [tilespmem:v33+s3+$0x0], $0xffff  }
0x68: {  	v36 =	vadd.s32 $0x280, v36;
	v31 =	vld.idx.msk [tilespmem:v31+s4+$0x0], $0xffff;
	v26 =	vadd.f32 v30, v26  }
0x69: {  	v56 =	vadd.s32 s6, v16;
	v30 =	vld.idx.msk [tilespmem:v34+s3+$0x0], $0xffff  }
0x6a: {  	v37 =	vadd.s32 $0x2C0, v37;
	v32 =	vld.idx.msk [tilespmem:v54+s4+$0x0], $0xffff;
	v26 =	vadd.f32 v27, v26  }
0x6b: {  	v57 =	vadd.s32 s6, v17;
	v27 =	vld.idx.msk [tilespmem:v35+s3+$0x0], $0xffff  }
0x6c: {  	v33 =	vld.idx.msk [tilespmem:v55+s4+$0x0], $0xffff;
	v29 =	vadd.s32 $0x300, v29;
	v26 =	vadd.f32 v28, v26  }
0x6d: {  	v58 =	vadd.s32 s6, v18;
	v28 =	vld.idx.msk [tilespmem:v36+s3+$0x0], $0xffff  }
0x6e: {  	v34 =	vld.idx.msk [tilespmem:v56+s4+$0x0], $0xffff;
	v31 =	vadd.s32 $0x340, v31;
	v26 =	vadd.f32 v30, v26  }
0x6f: {  	v59 =	vadd.s32 s6, v19;
	v30 =	vld.idx.msk [tilespmem:v37+s3+$0x0], $0xffff  }
0x70: {  	v32 =	vadd.s32 $0x380, v32;
	v35 =	vld.idx.msk [tilespmem:v57+s4+$0x0], $0xffff;
	v26 =	vadd.f32 v27, v26  }
0x71: {  	v27 =	vld.idx.msk [tilespmem:v29+s3+$0x0], $0xffff;
	v29 =	vadd.s32 s6, v20  }
0x72: {  	v33 =	vadd.s32 $0x3C0, v33;
	v36 =	vld.idx.msk [tilespmem:v58+s4+$0x0], $0xffff;
	v26 =	vadd.f32 v28, v26  }
0x73: {  	v28 =	vld.idx.msk [tilespmem:v31+s3+$0x0], $0xffff;
	v31 =	vadd.s32 s6, v21  }
0x74: {  	v34 =	vadd.s32 $0x400, v34;
	v37 =	vld.idx.msk [tilespmem:v59+s4+$0x0], $0xffff;
	v26 =	vadd.f32 v30, v26  }
0x75: {  	v30 =	vld.idx.msk [tilespmem:v32+s3+$0x0], $0xffff  }
0x76: {  	v35 =	vadd.s32 $0x440, v35;
	v29 =	vld.idx.msk [tilespmem:v29+s4+$0x0], $0xffff;
	v26 =	vadd.f32 v27, v26  }
0x77: {  	v60 =	vadd.s32 s6, v22;
	v27 =	vld.idx.msk [tilespmem:v33+s3+$0x0], $0xffff  }
0x78: {  	v36 =	vadd.s32 $0x480, v36;
	v31 =	vld.idx.msk [tilespmem:v31+s4+$0x0], $0xffff;
	v26 =	vadd.f32 v28, v26  }
0x79: {  	v61 =	vadd.s32 s6, v23;
	v28 =	vld.idx.msk [tilespmem:v34+s3+$0x0], $0xffff  }
0x7a: {  	v37 =	vadd.s32 $0x4C0, v37;
	v26 =	vadd.f32 v30, v26  }
0x7b: {  	v62 =	vadd.s32 s6, v24;
	v30 =	vld.idx.msk [tilespmem:v35+s3+$0x0], $0xffff  }
0x7c: {  	v32 =	vld.idx.msk [tilespmem:v60+s4+$0x0], $0xffff;
	v29 =	vadd.s32 $0x500, v29;
	v26 =	vadd.f32 v27, v26  }
0x7d: {  	v27 =	vld.idx.msk [tilespmem:v36+s3+$0x0], $0xffff;
	v31 =	vadd.s32 $0x540, v31  }
0x7e: {  	v33 =	vld.idx.msk [tilespmem:v61+s4+$0x0], $0xffff;
	v26 =	vadd.f32 v28, v26;
	v28 =	vadd.s32 s6, v25  }
0x7f: {  	v63 =	vld.idx.msk [tilespmem:v37+s3+$0x0], $0xffff  }
0x80: {  	v34 =	vld.idx.msk [tilespmem:v62+s4+$0x0], $0xffff;
	v26 =	vadd.f32 v30, v26  }
0x81: {  	v29 =	vld.idx.msk [tilespmem:v29+s3+$0x0], $0xffff  }
0x82: {  	v32 =	vadd.s32 $0x580, v32;
	v26 =	vadd.f32 v27, v26;
	v27 =	vld.idx.msk [tilespmem:v31+s3+$0x0], $0xffff  }
0x83: {  	v28 =	vld.idx.msk [tilespmem:v28+s4+$0x0], $0xffff  }
0x84: {  	v30 =	vadd.s32 $0x5C0, v33;
	v26 =	vadd.f32 v63, v26;
	_ =	sdelay $0x1  }
0x85: {  	v31 =	vadd.s32 $0x600, v34;
	v26 =	vadd.f32 v29, v26  }
0x86: {  	v32 =	vld.idx.msk [tilespmem:v32+s3+$0x0], $0xffff  }
0x87: {  	v26 =	vadd.f32 v27, v26;
	v27 =	vadd.s32 $0x640, v28  }
0x88: {  	v29 =	vld.idx.msk [tilespmem:v30+s3+$0x0], $0xffff;
	_ =	sdelay $0x1  }
0x89: {  	v28 =	vld.idx.msk [tilespmem:v31+s3+$0x0], $0xffff  }
0x8a: {  	v26 =	vadd.f32 v32, v26  }
0x8b: {  	v27 =	vld.idx.msk [tilespmem:v27+s3+$0x0], $0xffff  }
0x8c: {  	v29 =	vadd.f32 v29, v26  }
0x8d: {  	s6 =	simm.s32 $0x340  }
0x8e: {  	s7 =	simm.s32 $0x4E0;
	v26 =	vadd.s32 s6, v1;
	v28 =	vadd.f32 v28, v29  }
.LBB2_1:
0x8f: {  	p0 =	sne.s32 s7, $0x6660;
	v29 =	vadd.s32 s6, v0  }
0x90: {  	v30 =	vadd.s32 s6, v2;
	v27 =	vadd.f32 v27, v28  }
0x91: {  	s5 =	sadd.s32 $0x10, s5  }
0x92: {  	v28 =	vadd.s32 s6, v5;
	[tilespmem:s5+$0x0] =	vst v27  }
0x93: {  	v26 =	vld.idx.msk [tilespmem:v26+s4+$0x0], $0xffff  }
0x94: {  	v27 =	vld.idx.msk [tilespmem:v29+s4+$0x0], $0xffff;
	v29 =	vadd.s32 s6, v3  }
0x95: {  	v30 =	vld.idx.msk [tilespmem:v30+s4+$0x0], $0xffff  }
0x96: {  	v31 =	vadd.s32 s6, v4  }
0x97: {  	v32 =	vadd.s32 s6, v6;
	v28 =	vld.idx.msk [tilespmem:v28+s4+$0x0], $0xffff;
	_ =	sdelay $0x1  }
0x98: {  	v26 =	vadd.s32 $0x40, v26;
	v29 =	vld.idx.msk [tilespmem:v29+s4+$0x0], $0xffff  }
0x99: {  	v33 =	vadd.s32 s6, v7  }
0x9a: {  	v30 =	vadd.s32 $0x80, v30;
	v31 =	vld.idx.msk [tilespmem:v31+s4+$0x0], $0xffff  }
0x9b: {  	v34 =	vadd.s32 s6, v8;
	v32 =	vld.idx.msk [tilespmem:v32+s4+$0x0], $0xffff  }
0x9c: {  	v28 =	vadd.s32 $0xC0, v28;
	v27 =	vld.idx.msk [tilespmem:v27+s3+$0x0], $0xffff  }
0x9d: {  	v35 =	vadd.s32 s6, v9;
	v26 =	vld.idx.msk [tilespmem:v26+s3+$0x0], $0xffff  }
0x9e: {  	v29 =	vadd.s32 $0x100, v29;
	v33 =	vld.idx.msk [tilespmem:v33+s4+$0x0], $0xffff  }
0x9f: {  	v36 =	vadd.s32 s6, v10;
	v30 =	vld.idx.msk [tilespmem:v30+s3+$0x0], $0xffff  }
0xa0: {  	v31 =	vadd.s32 $0x140, v31;
	v34 =	vld.idx.msk [tilespmem:v34+s4+$0x0], $0xffff  }
0xa1: {  	v37 =	vadd.s32 s6, v11;
	v28 =	vld.idx.msk [tilespmem:v28+s3+$0x0], $0xffff  }
0xa2: {  	v32 =	vadd.s32 $0x180, v32;
	v35 =	vld.idx.msk [tilespmem:v35+s4+$0x0], $0xffff  }
0xa3: {  	v26 =	vadd.f32 v26, v27;
	v27 =	vld.idx.msk [tilespmem:v29+s3+$0x0], $0xffff;
	v29 =	vadd.s32 s6, v12  }
0xa4: {  	v33 =	vadd.s32 $0x1C0, v33;
	v36 =	vld.idx.msk [tilespmem:v36+s4+$0x0], $0xffff  }
0xa5: {  	v26 =	vadd.f32 v30, v26;
	v30 =	vld.idx.msk [tilespmem:v31+s3+$0x0], $0xffff;
	v31 =	vadd.s32 s6, v13  }
0xa6: {  	v34 =	vadd.s32 $0x200, v34;
	v37 =	vld.idx.msk [tilespmem:v37+s4+$0x0], $0xffff  }
0xa7: {  	v26 =	vadd.f32 v28, v26;
	v28 =	vld.idx.msk [tilespmem:v32+s3+$0x0], $0xffff;
	v32 =	vadd.s32 s6, v14  }
0xa8: {  	v35 =	vadd.s32 $0x240, v35;
	v29 =	vld.idx.msk [tilespmem:v29+s4+$0x0], $0xffff  }
0xa9: {  	v26 =	vadd.f32 v27, v26;
	v27 =	vld.idx.msk [tilespmem:v33+s3+$0x0], $0xffff;
	v33 =	vadd.s32 s6, v15  }
0xaa: {  	v36 =	vadd.s32 $0x280, v36;
	v31 =	vld.idx.msk [tilespmem:v31+s4+$0x0], $0xffff  }
0xab: {  	v26 =	vadd.f32 v30, v26;
	v30 =	vld.idx.msk [tilespmem:v34+s3+$0x0], $0xffff;
	v34 =	vadd.s32 s6, v16  }
0xac: {  	v37 =	vadd.s32 $0x2C0, v37;
	v32 =	vld.idx.msk [tilespmem:v32+s4+$0x0], $0xffff  }
0xad: {  	v26 =	vadd.f32 v28, v26;
	v28 =	vld.idx.msk [tilespmem:v35+s3+$0x0], $0xffff;
	v35 =	vadd.s32 s6, v17  }
0xae: {  	v29 =	vadd.s32 $0x300, v29;
	v33 =	vld.idx.msk [tilespmem:v33+s4+$0x0], $0xffff  }
0xaf: {  	v26 =	vadd.f32 v27, v26;
	v27 =	vld.idx.msk [tilespmem:v36+s3+$0x0], $0xffff;
	v36 =	vadd.s32 s6, v18  }
0xb0: {  	v31 =	vadd.s32 $0x340, v31;
	v34 =	vld.idx.msk [tilespmem:v34+s4+$0x0], $0xffff  }
0xb1: {  	v26 =	vadd.f32 v30, v26;
	v30 =	vld.idx.msk [tilespmem:v37+s3+$0x0], $0xffff;
	v37 =	vadd.s32 s6, v19  }
0xb2: {  	v32 =	vadd.s32 $0x380, v32;
	v35 =	vld.idx.msk [tilespmem:v35+s4+$0x0], $0xffff  }
0xb3: {  	v26 =	vadd.f32 v28, v26;
	v28 =	vld.idx.msk [tilespmem:v29+s3+$0x0], $0xffff;
	v29 =	vadd.s32 s6, v20  }
0xb4: {  	v33 =	vadd.s32 $0x3C0, v33;
	v36 =	vld.idx.msk [tilespmem:v36+s4+$0x0], $0xffff  }
0xb5: {  	v26 =	vadd.f32 v27, v26;
	v27 =	vld.idx.msk [tilespmem:v31+s3+$0x0], $0xffff;
	v31 =	vadd.s32 s6, v21  }
0xb6: {  	v34 =	vadd.s32 $0x400, v34;
	v37 =	vld.idx.msk [tilespmem:v37+s4+$0x0], $0xffff  }
0xb7: {  	v26 =	vadd.f32 v30, v26;
	v30 =	vld.idx.msk [tilespmem:v32+s3+$0x0], $0xffff;
	v32 =	vadd.s32 s6, v22  }
0xb8: {  	v35 =	vadd.s32 $0x440, v35;
	v29 =	vld.idx.msk [tilespmem:v29+s4+$0x0], $0xffff  }
0xb9: {  	v26 =	vadd.f32 v28, v26;
	v28 =	vld.idx.msk [tilespmem:v33+s3+$0x0], $0xffff;
	v33 =	vadd.s32 s6, v23  }
0xba: {  	v36 =	vadd.s32 $0x480, v36;
	v31 =	vld.idx.msk [tilespmem:v31+s4+$0x0], $0xffff  }
0xbb: {  	v26 =	vadd.f32 v27, v26;
	v27 =	vld.idx.msk [tilespmem:v34+s3+$0x0], $0xffff;
	v34 =	vadd.s32 s6, v24  }
0xbc: {  	v37 =	vadd.s32 $0x4C0, v37;
	v32 =	vld.idx.msk [tilespmem:v32+s4+$0x0], $0xffff  }
0xbd: {  	v26 =	vadd.f32 v30, v26;
	v30 =	vld.idx.msk [tilespmem:v35+s3+$0x0], $0xffff;
	v35 =	vadd.s32 s6, v25;
	s6 =	smov.u32 s7  }
0xbe: {  	v29 =	vadd.s32 $0x500, v29;
	v33 =	vld.idx.msk [tilespmem:v33+s4+$0x0], $0xffff  }
0xbf: {  	v26 =	vadd.f32 v28, v26;
	v28 =	vld.idx.msk [tilespmem:v36+s3+$0x0], $0xffff  }
0xc0: {  	v31 =	vadd.s32 $0x540, v31;
	v34 =	vld.idx.msk [tilespmem:v34+s4+$0x0], $0xffff  }
0xc1: {  	v26 =	vadd.f32 v27, v26;
	v27 =	vld.idx.msk [tilespmem:v37+s3+$0x0], $0xffff  }
0xc2: {  	v32 =	vadd.s32 $0x580, v32;
	v35 =	vld.idx.msk [tilespmem:v35+s4+$0x0], $0xffff  }
0xc3: {  	v26 =	vadd.f32 v30, v26;
	v29 =	vld.idx.msk [tilespmem:v29+s3+$0x0], $0xffff  }
0xc4: {  	v30 =	vadd.s32 $0x5C0, v33  }
0xc5: {  	v26 =	vadd.f32 v28, v26;
	v28 =	vld.idx.msk [tilespmem:v31+s3+$0x0], $0xffff  }
0xc6: {  	v31 =	vadd.s32 $0x600, v34  }
0xc7: {  	v26 =	vadd.f32 v27, v26;
	v27 =	vld.idx.msk [tilespmem:v32+s3+$0x0], $0xffff  }
0xc8: {  	v32 =	vadd.s32 $0x640, v35  }
0xc9: {  	v26 =	vadd.f32 v29, v26;
	v29 =	vld.idx.msk [tilespmem:v30+s3+$0x0], $0xffff;
	_ =	sdelay $0x1  }
0xca: {  	v26 =	vadd.f32 v28, v26;
	v28 =	vld.idx.msk [tilespmem:v31+s3+$0x0], $0xffff;
	_ =	sdelay $0x1  }
.Ltmp0:
0xcb: {  	v26 =	vadd.f32 v27, v26;
	v27 =	vld.idx.msk [tilespmem:v32+s3+$0x0], $0xffff;
	(pc) =	sbr.rel @p0 .LBB2_1-.Ltmp0, $3  }
0xcc: {  	_ = 	snop  }
0xcd: {  	v29 =	vadd.f32 v29, v26;
	_ =	sdelay $0x1  }
0xce: {  	s7 =	sadd.s32 $0x1A0, s7;
	v26 =	vadd.s32 s6, v1;
	v28 =	vadd.f32 v28, v29  }
0xcf: {  	v0 =	vadd.s32 s6, v0  }
0xd0: {  	v1 =	vadd.s32 s6, v2;
	v63 =	vadd.f32 v27, v28  }
0xd1: {  	s5 =	sadd.s32 $0x10, s5  }
0xd2: {  	v5 =	vadd.s32 s6, v5;
	[tilespmem:s5+$0x0] =	vst v63  }
0xd3: {  	v2 =	vld.idx.msk [tilespmem:v26+s4+$0x0], $0xffff  }
0xd4: {  	v3 =	vadd.s32 s6, v3;
	v0 =	vld.idx.msk [tilespmem:v0+s4+$0x0], $0xffff  }
0xd5: {  	v4 =	vadd.s32 s6, v4;
	v1 =	vld.idx.msk [tilespmem:v1+s4+$0x0], $0xffff  }
0xd6: {  	v6 =	vadd.s32 s6, v6  }
0xd7: {  	v5 =	vld.idx.msk [tilespmem:v5+s4+$0x0], $0xffff  }
0xd8: {  	v2 =	vadd.s32 $0x40, v2  }
0xd9: {  	v7 =	vadd.s32 s6, v7;
	v3 =	vld.idx.msk [tilespmem:v3+s4+$0x0], $0xffff  }
0xda: {  	v4 =	vld.idx.msk [tilespmem:v4+s4+$0x0], $0xffff;
	v1 =	vadd.s32 $0x80, v1  }
0xdb: {  	v8 =	vadd.s32 s6, v8;
	v6 =	vld.idx.msk [tilespmem:v6+s4+$0x0], $0xffff  }
0xdc: {  	v5 =	vadd.s32 $0xC0, v5;
	v0 =	vld.idx.msk [tilespmem:v0+s3+$0x0], $0xffff  }
0xdd: {  	v9 =	vadd.s32 s6, v9;
	v2 =	vld.idx.msk [tilespmem:v2+s3+$0x0], $0xffff  }
0xde: {  	v7 =	vld.idx.msk [tilespmem:v7+s4+$0x0], $0xffff;
	v3 =	vadd.s32 $0x100, v3  }
0xdf: {  	v10 =	vadd.s32 s6, v10;
	v1 =	vld.idx.msk [tilespmem:v1+s3+$0x0], $0xffff  }
0xe0: {  	v8 =	vld.idx.msk [tilespmem:v8+s4+$0x0], $0xffff;
	v4 =	vadd.s32 $0x140, v4  }
0xe1: {  	v11 =	vadd.s32 s6, v11;
	v5 =	vld.idx.msk [tilespmem:v5+s3+$0x0], $0xffff  }
0xe2: {  	v9 =	vld.idx.msk [tilespmem:v9+s4+$0x0], $0xffff;
	v6 =	vadd.s32 $0x180, v6;
	v0 =	vadd.f32 v2, v0  }
0xe3: {  	v27 =	vadd.s32 s6, v12;
	v26 =	vld.idx.msk [tilespmem:v3+s3+$0x0], $0xffff  }
0xe4: {  	v10 =	vld.idx.msk [tilespmem:v10+s4+$0x0], $0xffff;
	v7 =	vadd.s32 $0x1C0, v7;
	v0 =	vadd.f32 v1, v0  }
0xe5: {  	v29 =	vadd.s32 s6, v13;
	v28 =	vld.idx.msk [tilespmem:v4+s3+$0x0], $0xffff  }
0xe6: {  	v11 =	vld.idx.msk [tilespmem:v11+s4+$0x0], $0xffff;
	v8 =	vadd.s32 $0x200, v8;
	v0 =	vadd.f32 v5, v0  }
0xe7: {  	v31 =	vadd.s32 s6, v14;
	v30 =	vld.idx.msk [tilespmem:v6+s3+$0x0], $0xffff  }
0xe8: {  	v9 =	vadd.s32 $0x240, v9;
	v3 =	vld.idx.msk [tilespmem:v27+s4+$0x0], $0xffff;
	v0 =	vadd.f32 v26, v0  }
0xe9: {  	v33 =	vadd.s32 s6, v15;
	v32 =	vld.idx.msk [tilespmem:v7+s3+$0x0], $0xffff  }
0xea: {  	v10 =	vadd.s32 $0x280, v10;
	v4 =	vld.idx.msk [tilespmem:v29+s4+$0x0], $0xffff;
	v0 =	vadd.f32 v28, v0  }
0xeb: {  	v35 =	vadd.s32 s6, v16;
	v34 =	vld.idx.msk [tilespmem:v8+s3+$0x0], $0xffff  }
0xec: {  	v11 =	vadd.s32 $0x2C0, v11;
	v6 =	vld.idx.msk [tilespmem:v31+s4+$0x0], $0xffff;
	v0 =	vadd.f32 v30, v0  }
0xed: {  	v37 =	vadd.s32 s6, v17;
	v36 =	vld.idx.msk [tilespmem:v9+s3+$0x0], $0xffff  }
0xee: {  	v7 =	vld.idx.msk [tilespmem:v33+s4+$0x0], $0xffff;
	v3 =	vadd.s32 $0x300, v3;
	v0 =	vadd.f32 v32, v0  }
0xef: {  	v39 =	vadd.s32 s6, v18;
	v38 =	vld.idx.msk [tilespmem:v10+s3+$0x0], $0xffff  }
0xf0: {  	v8 =	vld.idx.msk [tilespmem:v35+s4+$0x0], $0xffff;
	v4 =	vadd.s32 $0x340, v4;
	v0 =	vadd.f32 v34, v0  }
0xf1: {  	v41 =	vadd.s32 s6, v19;
	v40 =	vld.idx.msk [tilespmem:v11+s3+$0x0], $0xffff  }
0xf2: {  	v9 =	vld.idx.msk [tilespmem:v37+s4+$0x0], $0xffff;
	v6 =	vadd.s32 $0x380, v6;
	v0 =	vadd.f32 v36, v0  }
0xf3: {  	v42 =	vadd.s32 s6, v20;
	v3 =	vld.idx.msk [tilespmem:v3+s3+$0x0], $0xffff  }
0xf4: {  	v10 =	vld.idx.msk [tilespmem:v39+s4+$0x0], $0xffff;
	v7 =	vadd.s32 $0x3C0, v7;
	v0 =	vadd.f32 v38, v0  }
0xf5: {  	v44 =	vadd.s32 s6, v21;
	v43 =	vld.idx.msk [tilespmem:v4+s3+$0x0], $0xffff  }
0xf6: {  	v11 =	vld.idx.msk [tilespmem:v41+s4+$0x0], $0xffff;
	v8 =	vadd.s32 $0x400, v8;
	v0 =	vadd.f32 v40, v0  }
0xf7: {  	v46 =	vadd.s32 s6, v22;
	v45 =	vld.idx.msk [tilespmem:v6+s3+$0x0], $0xffff  }
0xf8: {  	v9 =	vadd.s32 $0x440, v9;
	v5 =	vld.idx.msk [tilespmem:v42+s4+$0x0], $0xffff;
	v0 =	vadd.f32 v3, v0  }
0xf9: {  	v48 =	vadd.s32 s6, v23;
	v47 =	vld.idx.msk [tilespmem:v7+s3+$0x0], $0xffff  }
0xfa: {  	v10 =	vadd.s32 $0x480, v10;
	v4 =	vld.idx.msk [tilespmem:v44+s4+$0x0], $0xffff;
	v0 =	vadd.f32 v43, v0  }
0xfb: {  	v50 =	vadd.s32 s6, v24;
	v49 =	vld.idx.msk [tilespmem:v8+s3+$0x0], $0xffff  }
0xfc: {  	v11 =	vadd.s32 $0x4C0, v11;
	v6 =	vld.idx.msk [tilespmem:v46+s4+$0x0], $0xffff;
	v0 =	vadd.f32 v45, v0  }
0xfd: {  	v52 =	vadd.s32 s6, v25;
	v51 =	vld.idx.msk [tilespmem:v9+s3+$0x0], $0xffff  }
0xfe: {  	v7 =	vld.idx.msk [tilespmem:v48+s4+$0x0], $0xffff;
	v5 =	vadd.s32 $0x500, v5;
	v0 =	vadd.f32 v47, v0  }
0xff: {  	v53 =	vld.idx.msk [tilespmem:v10+s3+$0x0], $0xffff  }
0x100: {  	v8 =	vld.idx.msk [tilespmem:v50+s4+$0x0], $0xffff;
	v4 =	vadd.s32 $0x540, v4;
	v0 =	vadd.f32 v49, v0  }
0x101: {  	v54 =	vld.idx.msk [tilespmem:v11+s3+$0x0], $0xffff  }
0x102: {  	v9 =	vld.idx.msk [tilespmem:v52+s4+$0x0], $0xffff;
	v6 =	vadd.s32 $0x580, v6;
	v0 =	vadd.f32 v51, v0  }
0x103: {  	v55 =	vld.idx.msk [tilespmem:v5+s3+$0x0], $0xffff  }
0x104: {  	v56 =	vadd.s32 $0x5C0, v7;
	v0 =	vadd.f32 v53, v0  }
0x105: {  	v57 =	vld.idx.msk [tilespmem:v4+s3+$0x0], $0xffff  }
0x106: {  	v58 =	vadd.s32 $0x600, v8;
	v0 =	vadd.f32 v54, v0  }
0x107: {  	v59 =	vld.idx.msk [tilespmem:v6+s3+$0x0], $0xffff  }
0x108: {  	v60 =	vadd.s32 $0x640, v9;
	v0 =	vadd.f32 v55, v0  }
0x109: {  	v61 =	vld.idx.msk [tilespmem:v56+s3+$0x0], $0xffff  }
0x10a: {  	v0 =	vadd.f32 v57, v0  }
0x10b: {  	v62 =	vld.idx.msk [tilespmem:v58+s3+$0x0], $0xffff  }
0x10c: {  	v0 =	vadd.f32 v59, v0  }
0x10d: {  	v63 =	vld.idx.msk [tilespmem:v60+s3+$0x0], $0xffff  }
0x10e: {  	v0 =	vadd.f32 v61, v0;
	_ =	sdelay $0x1  }
0x10f: {  	v0 =	vadd.f32 v62, v0;
	_ =	sdelay $0x1  }
0x110: {  	v0 =	vadd.f32 v63, v0  }
0x111: {  	s28 =	sshll.u32 s0, $0x7;
	s29 =	simm.s32 $0x0;
	s26 =	sadd.s32 $0x10, s5  }
0x112: {  	s30 =	simm.s32 $0x6E80;
	s31 =	simm.s32 $0x2;
	s2 =	sadd.s32 s2, s28;
	[tilespmem:s26+$0x0] =	vst v0  }
0x113: {  	[hbm4b:s2+s29] =	stream.linear.scatter [tilespmem:s30], [sflag:$0x2], $0x400, $0x38;
	[tilespmem:$0x7280] =	vst v63  }
0x114: {  	_ =	swait.ge [sflag:s31], $0x400  }
0x115: {  	[sflag:s31] =	ssyncset.done $0x0  }
0x116: {  	[sflag:s31] =	ssyncadd.s32 $0xFFFFFC00  }
0x117: {  	_ =	sfence.sel $0x180000  }
0x118: {  	[bflag:$0x0] =	sbarrier.arrive $0xFFFF  }
0x119: {  	p0 =	sne.s32 s0, $0x0;
	_ =	strace $0x90000047  }
0x11a: {  	s0 =	sadd.s32 @!p0 $0x100000, s1;
	[bflag:$0x2] =	sbarrier.arrive $0xFFFF  }
0x11b: {  	[sflag:s0] =	ssyncadd.tile.s32 @!p0 $0x1;
	_ =	shalt  }
.Lfunc_end2:
_tile_overlayer_lowered:
.L_overlay_start_2:
0x11c: {  	(tag) =	ssettag $0x2  }
0x11d: {  	s0 =	rddreg [dreg:$0x0];
	s2 =	stileid.u32  }
0x11e: {  	s1 =	rddreg [dreg:$0x1];
	p0 =	sne.s32 s2, $0x0  }
0x11f: {  	s3 =	rddreg [dreg:$0x2];
	[bflag:$0x3] =	sbarrier.arrive $0xFFFF;
	s2 =	simm.s32 @!p0 $0x1C02  }
0x120: {  	[timem:s3], [sflag:s2] =	dma.local @!p0 [hbm:s0], s1  }
0x121: {  	s0 =	simm.s32 @!p0 $0x2  }
0x122: {  	_ =	swait.ge @!p0 [sflag:s0], s1  }
0x123: {  	s1 =	ssub.s32 @!p0 $0x0, s1;
	[sflag:s0] =	ssyncset.done @!p0 $0x0  }
0x124: {  	[sflag:s0] =	ssyncadd.s32 @!p0 s1  }
0x125: {  	[bflag:$0x3] =	sbarrier.arrive $0xFFFF  }
0x126: {  	_ =	shalt  }

</sc_bundles>
